<compile_context>
chip_gen: v7x
topology: tpu7x:2x2x1
jax: 0.10.2.dev20260603
libtpu: 0.0.44.dev20260713+nightly
codegen_flags: <defaults>
</compile_context>

<pallas_src>
import jax
import jax.numpy as jnp
from jax.experimental import pallas as pl
from jax.experimental.pallas import tpu as pltpu

N_TOK = 8192
N_ENT = 8192
DIM = 256

T_TILE = 512


def _loss_body(e_ref, q_ref, out_ref, acc_ref):
    i = pl.program_id(0)

    @pl.when(i == 0)
    def _():
        acc_ref[0] = 0.0

    d = q_ref[...] - e_ref[...]
    acc_ref[0] += jnp.sum(d * d)

    @pl.when(i == pl.num_programs(0) - 1)
    def _():
        out_ref[...] = jnp.full((1, 1), acc_ref[0] / (N_TOK * DIM),
                                dtype=jnp.float32)


def _loss_call(e, e_q):
    out = pl.pallas_call(
        _loss_body,
        grid=(N_TOK // T_TILE,),
        in_specs=[
            pl.BlockSpec((T_TILE, DIM), lambda i: (i, 0)),
            pl.BlockSpec((T_TILE, DIM), lambda i: (i, 0)),
        ],
        out_specs=pl.BlockSpec((1, 1), lambda i: (0, 0)),
        out_shape=jax.ShapeDtypeStruct((1, 1), jnp.float32),
        scratch_shapes=[pltpu.SMEM((1,), jnp.float32)],
        compiler_params=pltpu.CompilerParams(
            dimension_semantics=("arbitrary",)),
    )(e, e_q)
    return out[0, 0]


def kernel(e, W, return_assignment):
    eps = 1e-12
    ne = jnp.maximum(jnp.linalg.norm(e, ord=2, axis=1, keepdims=True), eps)
    nc = jnp.maximum(jnp.linalg.norm(W, ord=2, axis=1, keepdims=True), eps)
    a = e / ne
    cn = W / nc

    sim = jnp.einsum('bd,nd->bn', a, cn)
    idx = jnp.argmax(sim, axis=1).astype(jnp.int32)
    e_q = jnp.take(W, idx, axis=0)
    loss = _loss_call(e, e_q)

    ra = jnp.asarray(return_assignment).astype(e.dtype)
    loss = loss + ra * jnp.zeros((), dtype=e.dtype)
    return (e_q, loss)

# --- scband reference (transcript-rebuilt; emitter-appended) ---
"""Pipeline reference for scband-quantizer-9431748182641 (READ-ONLY COPY).

The authoritative reference and input builder live on the scoring server;
editing this copy changes nothing except your own understanding.
"""

import jax, jax.numpy as jnp
import numpy as np

N_TOKENS = 8192
ENTRY_NUM = 8192
ENTRY_DIM = 256


def _normalize(x, eps=1e-12):
    # matches F.normalize(x, dim=1): x / max(||x||_2, eps)
    n = jnp.linalg.norm(x, ord=2, axis=1, keepdims=True)
    return x / jnp.maximum(n, eps)


def setup_inputs(seed: int = 0) -> dict:
    key = jax.random.key(seed)
    k1, k2 = jax.random.split(key)
    e = jax.random.normal(k1, (N_TOKENS, ENTRY_DIM), dtype=jnp.float32)
    # entry.weight initialized uniform(-1/entry_num, 1/entry_num) as in init_codebook('random')
    W = jax.random.uniform(k2, (ENTRY_NUM, ENTRY_DIM), dtype=jnp.float32,
                           minval=-1.0 / ENTRY_NUM, maxval=1.0 / ENTRY_NUM)
    return {"e": e, "W": W, "return_assignment": 0}


def reference(e, W, return_assignment=0):
    # Eval-mode forward of Quantizer (self.training is False, so the EMA /
    # multinomial codebook-reset branch is skipped).
    normed_e = jax.lax.stop_gradient(_normalize(e))
    normed_c = _normalize(W)
    # einsum('bd,dn->bn', normed_e, normed_c.T) == normed_e @ normed_c.T
    sim = jnp.einsum('bd,nd->bn', normed_e, normed_c)
    assignment_indices = jnp.argmax(sim, axis=1)
    # torch.zeros(...).scatter_(1, idx, 1) == one-hot
    assignments = jax.nn.one_hot(assignment_indices, W.shape[0], dtype=e.dtype)
    e_q = jnp.matmul(assignments, W)
    loss = jnp.mean((e_q - jax.lax.stop_gradient(e)) ** 2)
    ra = jnp.asarray(return_assignment).astype(e.dtype)
    loss = loss + ra * jnp.zeros((), dtype=e.dtype)
    return (e_q, loss)

if __name__ == "__main__":
    import jax
    _d = setup_inputs()
    print(jax.jit(kernel)(*tuple(_d.values())))

</pallas_src>

<mosaic_0001>
module attributes {stable_mosaic.version = 14 : i64} {
  func.func @_loss_body(%arg0: i32, %arg1: memref<512x256xf32, #tpu.memory_space<vmem>>, %arg2: memref<512x256xf32, #tpu.memory_space<vmem>>, %arg3: memref<1x1xf32, #tpu.memory_space<vmem>>, %arg4: memref<1xf32, #tpu.memory_space<smem>>) attributes {dimension_semantics = [#tpu.dimension_semantics<arbitrary>], iteration_bounds = array<i64: 16>, scalar_prefetch = 0 : i64, scratch_operands = 1 : i64, tpu.core_type = #tpu.core_type<tc>, window_params = [{transform_indices = @transform_0, window_bounds = array<i64: 512, 256>}, {transform_indices = @transform_1, window_bounds = array<i64: 512, 256>}, {pipeline_mode = #tpu.pipeline_mode<synchronous>, transform_indices = @transform_2, window_bounds = array<i64: 1, 1>}]} {
    %eq3A = arith.constant 0 : i32
    %eq3A_0 = arith.cmpi eq, %arg0, %eq3A : i32
    %convert_element_type3A = arith.extui %eq3A_0 : i1 to i32
    %cond3A = arith.constant 0 : i32
    %cond3A_1 = arith.cmpi ne, %convert_element_type3A, %cond3A : i32
    scf.if %cond3A_1 {
      %swap3A_19 = arith.constant 0.000000e+00 : f32
      %swap3A_20 = arith.constant 0 : index
      %swap3A_21 = memref.load %arg4[%swap3A_20] : memref<1xf32, #tpu.memory_space<smem>>
      memref.store %swap3A_19, %arg4[%swap3A_20] : memref<1xf32, #tpu.memory_space<smem>>
    } else {
    }
    %get3A = arith.constant 0 : index
    %get3A_2 = arith.constant 0 : index
    %get3A_3 = vector.load %arg2[%get3A, %get3A_2] : memref<512x256xf32, #tpu.memory_space<vmem>>, vector<512x256xf32>
    %get3A_4 = arith.constant 0 : index
    %get3A_5 = arith.constant 0 : index
    %get3A_6 = vector.load %arg1[%get3A_4, %get3A_5] : memref<512x256xf32, #tpu.memory_space<vmem>>, vector<512x256xf32>
    %sub3A = arith.subf %get3A_3, %get3A_6 : vector<512x256xf32>
    %get3A_7 = arith.constant 0 : index
    %get3A_8 = memref.load %arg4[%get3A_7] : memref<1xf32, #tpu.memory_space<smem>>
    %mul3A = arith.mulf %sub3A, %sub3A : vector<512x256xf32>
    %reduce_sum3A = vector.shape_cast %mul3A : vector<512x256xf32> to vector<1x512x256xf32>
    %reduce_sum3A_9 = arith.constant dense<0.000000e+00> : vector<1xf32>
    %reduce_sum3A_10 = vector.multi_reduction <add>, %reduce_sum3A, %reduce_sum3A_9 [1, 2] : vector<1x512x256xf32> to vector<1xf32>
    %reduce_sum3A_11 = vector.shape_cast %reduce_sum3A_10 : vector<1xf32> to vector<1x1x1xf32>
    %reduce_sum3A_12 = vector.extract %reduce_sum3A_11[0, 0, 0] : f32 from vector<1x1x1xf32>
    %add3A = arith.addf %get3A_8, %reduce_sum3A_12 : f32
    %swap3A = arith.constant 0 : index
    %swap3A_13 = memref.load %arg4[%swap3A] : memref<1xf32, #tpu.memory_space<smem>>
    memref.store %add3A, %arg4[%swap3A] : memref<1xf32, #tpu.memory_space<smem>>
    %eq3A_14 = arith.constant 15 : i32
    %eq3A_15 = arith.cmpi eq, %arg0, %eq3A_14 : i32
    %convert_element_type3A_16 = arith.extui %eq3A_15 : i1 to i32
    %cond3A_17 = arith.constant 0 : i32
    %cond3A_18 = arith.cmpi ne, %convert_element_type3A_16, %cond3A_17 : i32
    scf.if %cond3A_18 {
      %get3A_19 = arith.constant 0 : index
      %get3A_20 = memref.load %arg4[%get3A_19] : memref<1xf32, #tpu.memory_space<smem>>
      %div3A = arith.constant 0x4A000000 : f32
      %div3A_21 = arith.divf %get3A_20, %div3A : f32
      %broadcast_in_dim3A = vector.broadcast %div3A_21 : f32 to vector<1x1xf32>
      %swap3A_22 = arith.constant 0 : index
      %swap3A_23 = arith.constant 0 : index
      %swap3A_24 = vector.load %arg3[%swap3A_22, %swap3A_23] : memref<1x1xf32, #tpu.memory_space<vmem>>, vector<1x1xf32>
      tpu.vector_store %arg3[%swap3A_22, %swap3A_23], %broadcast_in_dim3A {strides = array<i32>} : memref<1x1xf32, #tpu.memory_space<vmem>>, vector<1x1xf32>,
    } else {
    }
    return
  }
  func.func @transform_0(%arg0: i32) -> (i32, i32) {
    %c0_i32 = arith.constant 0 : i32
    %c0_i32_0 = arith.constant 0 : i32
    return %arg0, %c0_i32 : i32, i32
  }
  func.func @transform_1(%arg0: i32) -> (i32, i32) {
    %c0_i32 = arith.constant 0 : i32
    %c0_i32_0 = arith.constant 0 : i32
    return %arg0, %c0_i32 : i32, i32
  }
  func.func @transform_2(%arg0: i32) -> (i32, i32) {
    %c0_i32 = arith.constant 0 : i32
    %c0_i32_0 = arith.constant 0 : i32
    %c0_i32_1 = arith.constant 0 : i32
    return %c0_i32, %c0_i32_0 : i32, i32
  }
}

</mosaic_0001>

<sc_bundles>
// kernel: gather_offload_async_start
scs
__scs_entry_jumppad:
0x0: {  	(pc) =	sbr.rel $0x88, $3  }
0x1: {  	(tag) =	ssettag $0x0;
	lr =	simm.s32 $0x1  }
0x2: {  	[smem:$0x3F9E] =	sst lr;
	_ =	strace $0xD0000000  }
0x3: {  	_ = 	snop  }
0x4: {  	_ = 	snop  }
0x5: {  	_ = 	snop  }
0x6: {  	_ = 	snop  }
0x7: {  	_ = 	snop  }
__scs_overlays_trampoline_lowered:
0x8: {  	[smem:$0x3FAD] =	sst s0  }
0x9: {  	[smem:$0x3FAE] =	sst s1  }
0xa: {  	[smem:$0x3FAF] =	sst s2  }
0xb: {  	[smem:$0x3FB0] =	sst s3  }
0xc: {  	[smem:$0x3FB1] =	sst s4  }
0xd: {  	[smem:$0x3FB2] =	sst s5  }
0xe: {  	[smem:$0x3FB3] =	sst s6  }
0xf: {  	[smem:$0x3FB4] =	sst s7  }
0x10: {  	[smem:$0x3FB5] =	sst s8  }
0x11: {  	[smem:$0x3FB6] =	sst s9;
	s0 =	simm.s32 @!p0 $0x0  }
0x12: {  	s1 =	sld [smem:$0x3F9C];
	s0 =	simm.s32 @p0 $0x1  }
0x13: {  	[smem:$0x3FB7] =	sst s0;
	s0 =	simm.s32 @!p1 $0x0  }
0x14: {  	s2 =	sld [smem:$0x3F9B];
	s0 =	simm.s32 @p1 $0x1  }
0x15: {  	[smem:$0x3FB8] =	sst s0;
	s0 =	simm.s32 @!p2 $0x0  }
0x16: {  	s3 =	sld [smem:$0x3FDB];
	s0 =	simm.s32 @p2 $0x1  }
0x17: {  	s4 =	simm.s32 $0x1BF5;
	[smem:$0x3FBA] =	sst s0  }
0x18: {  	s0 =	sld [smem:$0x3F9D];
	_ =	swait.ge [sflag:s4], $0x0  }
0x19: {  	s7 =	sld [smem:$0x3F9E]  }
0x1a: {  	s8 =	sadd.s32 $0xFFFFE003, lr  }
0x1b: {  	s9 =	sadd.s32 $0xFFFFFEF7, lr;
	s5 =	simm.s32 $0xFFFFFFFF;
	p2 =	slt.u32 s8, $0xFFFFF086  }
0x1c: {  	p1 =	slt.u32 s9, $0xF7A;
	s5 =	simm.s32 @!p2 $0x0  }
0x1d: {  	s5 =	simm.s32 @p1 $0x1;
	p0 =	seq.s32 s7, s2  }
0x1e: {  	s7 =	smul.u32 @!p0 $0xF7A, s2;
	p2 =	seq.s32 @!p0 s5, $0x0  }
0x1f: {  	s9 =	smul.u32 $0xF7A, s1;
	s8 =	simm.s32 @!p0 $0x1BF5;
	p2 =	por !p2, p0  }
0x20: {  	[sflag:s8] =	ssyncset.s32 @!p0 $0xFFFFF086;
	s6 =	sadd.s32 @!p0 s3, s7;
	s7 =	simm.s32 @!p0 $0x108  }
0x21: {  	s3 =	sadd.s32 s3, s9;
	s6 =	sadd.s32 @!p0 $0x88, s6;
	s7 =	simm.s32 @p2 $0x1082  }
0x22: {  	[simem:s7], [sflag:s8] =	dma.local @!p0 [hbm:s6], $0xF7A  }
0x23: {  	s9 =	sor.u32 $0xD0000000, s2;
	s6 =	simm.s32 $0x108;
	_ =	swait.ge @!p0 [sflag:s8], $0x0  }
0x24: {  	s3 =	sadd.s32 $0x88, s3;
	s6 =	simm.s32 @!p1 $0x1082;
	[sflag:s4] =	ssyncset.s32 $0xFFFFF086  }
0x25: {  	[simem:s6], [sflag:s4] =	dma.local [hbm:s3], $0xF7A  }
0x26: {  	[smem:$0x3F9E] =	sst s1;
	(tag) =	ssettag s2;
	_ =	strace s9  }
0x27: {  	s1 =	sld [smem:$0x3FAE]  }
0x28: {  	s2 =	sld [smem:$0x3FAF]  }
0x29: {  	s4 =	sld [smem:$0x3FB1]  }
0x2a: {  	p0 =	seq.s32 s5, $0x0;
	s5 =	sld [smem:$0x3FB2]  }
0x2b: {  	s6 =	sld [smem:$0x3FB3]  }
0x2c: {  	s7 =	sld [smem:$0x3FB4]  }
0x2d: {  	s3 =	simm.s32 $0x108;
	s8 =	sld [smem:$0x3FB5]  }
0x2e: {  	s3 =	simm.s32 @!p0 $0x1082;
	s9 =	sld [smem:$0x3FB6]  }
0x2f: {  	lr =	sadd.s32 s0, s3;
	s0 =	sld [smem:$0x3FAD]  }
0x30: {  	s3 =	sld [smem:$0x3FB0]  }
0x31: {  	[smem:$0x3FB9] =	sst s10  }
0x32: {  	s10 =	sld [smem:$0x3FB7];
	_ =	sdelay $0x3  }
0x33: {  	p0 =	seq.s32 s10, $0x1;
	s10 =	sld [smem:$0x3FB9];
	_ =	sdelay $0x3  }
0x34: {  	[smem:$0x3FB9] =	sst s10  }
0x35: {  	s10 =	sld [smem:$0x3FB8];
	_ =	sdelay $0x3  }
0x36: {  	p1 =	seq.s32 s10, $0x1;
	s10 =	sld [smem:$0x3FB9];
	_ =	sdelay $0x3  }
0x37: {  	[smem:$0x3FB9] =	sst s10  }
0x38: {  	s10 =	sld [smem:$0x3FBA]  }
0x39: {  	_ = 	snop;
	(pc) =	sbr.ind lr, $3  }
0x3a: {  	_ = 	snop  }
0x3b: {  	_ = 	snop  }
0x3c: {  	p2 =	seq.s32 s10, $0x1;
	s10 =	sld [smem:$0x3FB9]  }
0x3d: {  	_ =	shalt  }
0x3e: {  	_ =	shalt  }
0x3f: {  	_ =	shalt  }
0x40: {  	_ =	shalt  }
0x41: {  	_ =	shalt  }
0x42: {  	_ =	shalt  }
0x43: {  	_ =	shalt  }
0x44: {  	_ =	shalt  }
0x45: {  	_ =	shalt  }
0x46: {  	_ =	shalt  }
0x47: {  	_ =	shalt  }
0x48: {  	_ =	shalt  }
0x49: {  	_ =	shalt  }
0x4a: {  	_ =	shalt  }
0x4b: {  	_ =	shalt  }
0x4c: {  	_ =	shalt  }
0x4d: {  	_ =	shalt  }
0x4e: {  	_ =	shalt  }
0x4f: {  	_ =	shalt  }
0x50: {  	_ =	shalt  }
0x51: {  	_ =	shalt  }
0x52: {  	_ =	shalt  }
0x53: {  	_ =	shalt  }
0x54: {  	_ =	shalt  }
0x55: {  	_ =	shalt  }
0x56: {  	_ =	shalt  }
0x57: {  	_ =	shalt  }
0x58: {  	_ =	shalt  }
0x59: {  	_ =	shalt  }
0x5a: {  	_ =	shalt  }
0x5b: {  	_ =	shalt  }
0x5c: {  	_ =	shalt  }
0x5d: {  	_ =	shalt  }
0x5e: {  	_ =	shalt  }
0x5f: {  	_ =	shalt  }
0x60: {  	_ =	shalt  }
0x61: {  	_ =	shalt  }
0x62: {  	_ =	shalt  }
0x63: {  	_ =	shalt  }
0x64: {  	_ =	shalt  }
0x65: {  	_ =	shalt  }
0x66: {  	_ =	shalt  }
0x67: {  	_ =	shalt  }
0x68: {  	_ =	shalt  }
0x69: {  	_ =	shalt  }
0x6a: {  	_ =	shalt  }
0x6b: {  	_ =	shalt  }
0x6c: {  	_ =	shalt  }
0x6d: {  	_ =	shalt  }
0x6e: {  	_ =	shalt  }
0x6f: {  	_ =	shalt  }
0x70: {  	_ =	shalt  }
0x71: {  	_ =	shalt  }
0x72: {  	_ =	shalt  }
0x73: {  	_ =	shalt  }
0x74: {  	_ =	shalt  }
0x75: {  	_ =	shalt  }
0x76: {  	_ =	shalt  }
0x77: {  	_ =	shalt  }
0x78: {  	_ =	shalt  }
0x79: {  	_ =	shalt  }
0x7a: {  	_ =	shalt  }
0x7b: {  	_ =	shalt  }
0x7c: {  	_ =	shalt  }
0x7d: {  	_ =	shalt  }
0x7e: {  	_ =	shalt  }
0x7f: {  	_ =	shalt  }
0x80: {  	_ =	shalt  }
0x81: {  	_ =	shalt  }
0x82: {  	_ =	shalt  }
0x83: {  	_ =	shalt  }
0x84: {  	_ =	shalt  }
0x85: {  	_ =	shalt  }
0x86: {  	_ =	shalt  }
0x87: {  	_ =	shalt  }
.Lfunc_end0:
.L_simem_size_0:
called_computation_lowered:
.L_overlay_start_0:
0x88: {  	s2 =	sld [smem:$0x3FD9]  }
0x89: {  	s3 =	sld [smem:$0x3FFE];
	_ =	sdelay $0x1  }
0x8a: {  	s1 =	srdreg.scid  }
0x8b: {  	s0 =	sand.u32 $0x1, s1  }
0x8c: {  	s14 =	sshll.u32 s0, $0xA;
	s2 =	sadd.s32 s3, s2  }
0x8d: {  	s2 =	sadd.s32 s2, s14  }
0x8e: {  	[smem:$0x3FC5] =	sst s2  }
0x8f: {  	_ = 	snop  }
0x90: {  	s2 =	sld [smem:$0x3FD0];
	_ =	sdelay $0x2  }
0x91: {  	s4 =	simm.s32 $0xA;
	s5 =	simm.s32 $0x10;
	s15 =	sld [smem:$0x3FC8]  }
0x92: {  	[smem:s5], [sflag:s4] =	dma.local [hbm:s2], $0x1  }
0x93: {  	_ =	swait.eq [sflag:s4], $0x1  }
0x94: {  	[sflag:s4] =	ssyncset.done $0x0  }
0x95: {  	[sflag:s4] =	ssyncadd.s32 $0xFFFFFFFF  }
0x96: {  	s16 =	sld [smem:$0x10];
	(tm) =	ssettm $0x1  }
0x97: {  	s17 =	sld [smem:$0x3FFB];
	_ =	sdelay $0x3  }
0x98: {  	_ =	strace s17  }
0x99: {  	s4 =	sld [smem:$0x3FFC];
	_ =	sdelay $0x3  }
0x9a: {  	_ =	strace s4  }
0x9b: {  	s4 =	sld [smem:$0x3FFD];
	_ =	sdelay $0x3  }
0x9c: {  	_ =	strace s4  }
0x9d: {  	_ =	strace $0x8FFFFFFF  }
0x9e: {  	s18 =	sld [smem:$0x3FDB];
	_ =	sdelay $0x1  }
0x9f: {  	s19 =	simm.s32 $_scs_section_size  }
0xa0: {  	s6 =	simm.s32 $_size__tile_overlayer_lowered;
	s7 =	simm.s32 $_tile_overlayer_lowered  }
0xa1: {  	s22 =	simm.s32 $0x1BFF;
	s21 =	sshll.u32 s7, $0x1;
	s4 =	sadd.s32 s19, s18  }
0xa2: {  	s8 =	simm.s32 $0x0;
	s20 =	sshll.u32 s6, $0x1;
	s6 =	sadd.s32 s21, s4  }
0xa3: {  	[timem:s8], [sflag:s22] =	dma.local [hbm:s6], s20  }
0xa4: {  	_ =	swait.ge [sflag:s22], s20  }
0xa5: {  	s5 =	ssub.s32 $0x0, s20;
	[sflag:s22] =	ssyncset.done $0x0  }
0xa6: {  	[sflag:s22] =	ssyncadd.s32 s5;
	_ =	sdelay $0x1  }
0xa7: {  	s23 =	simm.s32 $0x1B8B  }
0xa8: {  	_ =	swait.ge [sflag:s23], $0x1  }
0xa9: {  	[sflag:s23] =	ssyncset.done $0x0  }
0xaa: {  	s25 =	simm.s32 $0x1B8E;
	s24 =	sld [smem:$0x3FFE];
	[sflag:s23] =	ssyncadd.s32 $0xFFFFFFFF  }
0xab: {  	s26 =	simm.s32 $execute0_lowered;
	[smem:$0x3FD2] =	sst s25  }
0xac: {  	s6 =	sshll.u32 s26, $0x1;
	_ =	strace $0x80000046;
	[dreg:$0x1] =	wrdreg $0xFFFFFFFF  }
0xad: {  	s28 =	simm.s32 $_size_execute0_lowered;
	s4 =	sadd.s32 s4, s6;
	[dreg:$0x0] =	wrdreg $0x0  }
0xae: {  	s6 =	sshll.u32 s28, $0x1;
	[dreg:$0x2] =	wrdreg s4  }
0xaf: {  	[dreg:$0x3] =	wrdreg s6  }
0xb0: {  	[dreg:$0x4] =	wrdreg $0xC0  }
0xb1: {  	_ =	task [dreg:s8], $0x5FFFF  }
0xb2: {  	[dreg:$0x1] =	wrdreg $0xFFFFFFFF  }
0xb3: {  	[dreg:$0x0] =	wrdreg $0x60  }
0xb4: {  	[dreg:$0x2] =	wrdreg s15  }
0xb5: {  	[dreg:$0x3] =	wrdreg s24  }
0xb6: {  	[dreg:$0x4] =	wrdreg s16  }
0xb7: {  	[dreg:$0x5] =	wrdreg $0x9  }
0xb8: {  	_ =	task.clear_ibuf [dreg:s8], $0x6FFFF;
	_ =	strace $0x90000046  }
0xb9: {  	s29 =	simm.s32 $0x9;
	_ =	strace $0x80000048  }
0xba: {  	_ =	swait.ge [sflag:s29], $0x1  }
0xbb: {  	[sflag:s29] =	ssyncadd.s32 $0xFFFFFFFF  }
0xbc: {  	_ =	strace $0x90000048  }
0xbd: {  	_ =	sfence  }
0xbe: {  	s30 =	sld [smem:$0x0];
	_ =	sdelay $0x2  }
0xbf: {  	s31 =	sshll.u32 s1, $0xD;
	s1 =	sshrl.u32 s1, $0x2  }
0xc0: {  	s3 =	sand.u32 $0x4000, s31;
	s1 =	sadd.s32 s1, s30  }
0xc1: {  	s0 =	sor.u32 s3, s0;
	s1 =	sshll.u32 s1, $0x11  }
0xc2: {  	s0 =	sor.u32 s1, s0  }
0xc3: {  	s0 =	sadd.s32 $0x8F2B, s0  }
0xc4: {  	[sflag:s0] =	ssyncadd.remote.s32 $0x1  }
0xc5: {  	_ =	sfence.sel $0xFFFF  }
0xc6: {  	[dreg:$0x0] =	wrdreg $0xFFFFFFFF;
	(pc) =	sbr.abs _section_cstart, $3  }
0xc7: {  	[dreg:$0x1] =	wrdreg $0xFFFFFFFF  }
0xc8: {  	_ =	task.clear_ibuf [dreg:s8], $0x2FFFF;
	_ =	strace $0x9FFFFFFF  }
0xc9: {  	(tm) =	ssettm $0x7FFFFFFF  }
tec
execute0_lowered:
.L_overlay_start_1:
0x0: {  	(tag) =	ssettag $0x1  }
0x1: {  	s2 =	rddreg [dreg:$0x0]  }
0x2: {  	s3 =	rddreg [dreg:$0x1]  }
0x3: {  	s4 =	rddreg [dreg:$0x2]  }
0x4: {  	s0 =	rddreg [dreg:$0x3];
	s1 =	srdreg.scid  }
0x5: {  	_ =	strace $0x80000047;
	s5 =	simm.s32 $0x1;
	s6 =	sshll.u32 s1, $0x4  }
.Ltmp0:
0x6: {  	s1 =	stileid.u32;
	s6 =	sand.u32 $0x10, s6;
	(pc) =	sbr.rel .LBB2_1-.Ltmp0, $4  }
0x7: {  	s9 =	simm.s32 $0x3;
	s11 =	simm.s32 $0x0;
	s7 =	sor.u32 s1, s6  }
0x8: {  	[sflag:s5] =	ssyncpa.u1 $0x0;
	s6 =	simm.s32 $0x2;
	s7 =	sshll.u32 s7, $0x8  }
0x9: {  	p0 =	por $0x0, $0x0;
	[sflag:s6] =	ssyncpa.u1 $0x0;
	s8 =	sadd.s32 $0x100, s7  }
0xa: {  	vm0 =	vmmov $0xff;
	vm1 =	vcmask $0x3F20;
	[sflag:s9] =	ssyncpa.u1 $0x0;
	s10 =	smov.u32 s7;
	s9 =	simm.s32 $0x0  }
.LBB2_8:
0xb: {  	[hbm:s15] =	stream.linear.scatter [tilespmem:s12], [sflag:$0x3], $0x800, $0x38;
	[tilespmem:$0x10100] =	vst v63  }
.LBB2_9:
0xc: {  	p1 =	slt.u32 s9, $0x2;
	s11 =	sadd.s32 $0x80, s10  }
0xd: {  	s13 =	smov.u32 s7;
	s9 =	sadd.s32 $0x1, s9;
	p2 =	slt.s32 s11, s8  }
0xe: {  	s13 =	smov.u32 @p2 s11;
	p2 =	sne.s32 s9, $0x4  }
.Ltmp1:
0xf: {  	_ = 	snop;
	(pc) =	sbr.rel @!p2 .LBB2_10-.Ltmp1, $4  }
0x10: {  	s12 =	simm.s32 @!p1 $0x3  }
0x11: {  	_ =	swait.ge @!p1 [sflag:s12], $0x8000  }
0x12: {  	p0 =	por !p0, !p0;
	[sflag:s12] =	ssyncset.done @!p1 $0x0  }
0x13: {  	s11 =	smov.u32 s10;
	s10 =	smov.u32 s13;
	[sflag:s12] =	ssyncadd.s32 @!p1 $0xFFFF8000  }
.LBB2_1:
0x14: {  	p1 =	sgt.u32 s9, $0x1  }
0x15: {  	s12 =	sshll.u32 @!p1 s9, $0x7;
	s13 =	sshrl.u32 @!p1 s10, $0x3  }
0x16: {  	s14 =	sand.u32 @!p1 $0x7, s10;
	s12 =	sxor.u32 @!p1 $0x80, s12;
	s13 =	sadd.s32 @!p1 s3, s13  }
0x17: {  	[tilespmem:s12], [sflag:$0x2] =	stream.linear.gather @!p1 [hbm4b:s13+s14], $0x80, $0x38;
	[tilespmem:$0x10100] =	vst v63  }
0x18: {  	p1 =	seq.s32 s9, $0x0  }
0x19: {  	p2 =	seq.s32 @!p1 s9, $0x3  }
0x1a: {  	p1 =	por p1, p2  }
.Ltmp2:
0x1b: {  	_ = 	snop;
	(pc) =	sbr.rel @p1 .LBB2_9-.Ltmp2, $1  }
0x1c: {  	_ =	sdelay $0x3  }
0x1d: {  	s12 =	simm.s32 $0x1;
	_ =	swait.ge [sflag:s6], $0x80;
	s13 =	sand.u32 $0x1, s9  }
0x1e: {  	s15 =	simm.s32 $0x0;
	s12 =	simm.s32 @!p0 $0x0;
	[sflag:s6] =	ssyncset.done $0x0  }
0x1f: {  	s14 =	sshll.u32 s13, $0xF;
	s13 =	sshll.u32 s13, $0x7;
	s12 =	sshll.u32 s12, $0xF  }
0x20: {  	[sflag:s6] =	ssyncadd.s32 $0xFFFFFF80;
	s14 =	sor.u32 $0x100, s14;
	s12 =	sor.u32 $0x100, s12  }
.LBB2_3:
0x21: {  	s16 =	sshll.u32 s15, $0x4  }
0x22: {  	s16 =	sand.u32 $0x3FFFFFF0, s16  }
0x23: {  	s16 =	sadd.s32 s16, s13  }
0x24: {  	v0 =	vld.msk [tilespmem:s16+$0x0 ss:$0x1], $0xffff;
	_ =	sdelay $0x4  }
0x25: {  	vm2 =	vgt.s32 v0, $0x0  }
0x26: {  	v0 =	vnsel vm2, $0x0, v0  }
0x27: {  	v0 =	vmin.u32 v0, $0x1FFF  }
0x28: {  	s31 =	sshll.u32 s15, $0xC;
	v1 =	vshll.u32 v0, $0x5;
	v0 =	vshll.u32 v0, $0x4  }
0x29: {  	s16 =	sand.u32 $0x3FFFF000, s31;
	v1 =	vand.u32 $0x3FF00, v1;
	v0 =	vand.u32 $0x70, v0  }
0x2a: {  	p1 =	por $0x1, $0x1;
	s17 =	simm.s32 $0x0;
	s16 =	sadd.s32 s16, s14;
	v0 =	vor.u32 v0, v1  }
.LBB2_4:
0x2b: {  	_ =	sdelay $0x1  }
0x2c: {  	s17 =	sshra.s32 s17, $0x2;
	p2 =	por p1, p1  }
.Ltmp3:
0x2d: {  	s17 =	sadd.s32 s17, s16;
	(pc) =	sbr.rel @p2 .LBB2_4-.Ltmp3, $4  }
0x2e: {  	[tilespmem:s17], [sflag:$0x1] =	stream.indirect_vreg.gather [hbm:s2], $0x80, v0, vm0, $0x38;
	[tilespmem:$0x10100] =	vst v63  }
0x2f: {  	s17 =	sadd.s32 $0x800, s17  }
0x30: {  	[tilespmem:s17], [sflag:$0x1] =	stream.indirect_vreg.gather [hbm:s2], $0x80, v0, vm1, $0x38;
	[tilespmem:$0x10100] =	vst v63  }
0x31: {  	p1 =	por $0x0, $0x0;
	v0 =	vadd.s32 $0x80, v0;
	s17 =	simm.s32 $0x1000  }
0x32: {  	s15 =	sadd.s32 $0x1, s15  }
0x33: {  	p1 =	sne.s32 s15, $0x8  }
.Ltmp4:
0x34: {  	_ = 	snop;
	(pc) =	sbr.rel @p1 .LBB2_3-.Ltmp4, $1  }
0x35: {  	_ =	sdelay $0x3  }
0x36: {  	s13 =	sshll.u32 s11, $0x5  }
0x37: {  	s31 =	sshll.u32 s11, $0x4;
	s13 =	sand.u32 $0xFFFFFF00, s13  }
0x38: {  	_ =	swait.ge [sflag:s5], $0x8000;
	s11 =	sand.u32 $0x70, s31;
	s13 =	sadd.s32 s13, s4  }
0x39: {  	s14 =	sadd.s32 $0x800, s12;
	[sflag:s5] =	ssyncset.done $0x0;
	s11 =	sadd.s32 s11, s13  }
0x3a: {  	[sflag:s5] =	ssyncadd.s32 $0xFFFF8000;
	s13 =	simm.s32 $0x100;
	s15 =	sadd.s32 $0x0, s11  }
.LBB2_7:
0x3b: {  	[hbm:s15] =	stream.linear.scatter [tilespmem:s12], [sflag:$0x3], $0x800, $0x38;
	[tilespmem:$0x10100] =	vst v63  }
0x3c: {  	s15 =	smov.u32 s13;
	s12 =	smov.u32 s14;
	p1 =	sne.s32 s13, $0xF00  }
.Ltmp5:
0x3d: {  	s13 =	sadd.s32 $0x100, s13;
	(pc) =	sbr.rel @p1 .LBB2_7-.Ltmp5, $2  }
0x3e: {  	_ =	sdelay $0x2  }
0x3f: {  	s14 =	sadd.s32 $0x800, s14;
	s15 =	sadd.s32 s15, s11  }
.Ltmp6:
0x40: {  	_ = 	snop;
	(pc) =	sbr.rel .LBB2_8-.Ltmp6, $1  }
0x41: {  	_ =	sdelay $0x3  }
.LBB2_10:
0x42: {  	_ =	sfence.sel $0x180000  }
0x43: {  	s2 =	simm.s32 $0x2;
	[bflag:$0x0] =	sbarrier.arrive $0xFFFF  }
0x44: {  	s30 =	simm.s32 $0x3;
	[sflag:s2] =	ssyncpa.u1 $0x1  }
0x45: {  	s31 =	simm.s32 $0x1;
	[sflag:s30] =	ssyncpa.u1 $0x1  }
0x46: {  	[sflag:s31] =	ssyncpa.u1 $0x1  }
0x47: {  	p0 =	sne.s32 s1, $0x0;
	_ =	strace $0x90000047  }
0x48: {  	s0 =	sadd.s32 @!p0 $0x100000, s0;
	[bflag:$0x2] =	sbarrier.arrive $0xFFFF  }
0x49: {  	[sflag:s0] =	ssyncadd.tile.s32 @!p0 $0x1;
	_ =	shalt  }
.Lfunc_end2:
_tile_overlayer_lowered:
.L_overlay_start_2:
0x4a: {  	(tag) =	ssettag $0x2  }
0x4b: {  	s0 =	rddreg [dreg:$0x0];
	s2 =	stileid.u32  }
0x4c: {  	s1 =	rddreg [dreg:$0x1];
	p0 =	sne.s32 s2, $0x0  }
0x4d: {  	s3 =	rddreg [dreg:$0x2];
	[bflag:$0x3] =	sbarrier.arrive $0xFFFF;
	s2 =	simm.s32 @!p0 $0x1C01  }
0x4e: {  	[timem:s3], [sflag:s2] =	dma.local @!p0 [hbm:s0], s1  }
0x4f: {  	s0 =	simm.s32 @!p0 $0x1  }
0x50: {  	_ =	swait.ge @!p0 [sflag:s0], s1  }
0x51: {  	s1 =	ssub.s32 @!p0 $0x0, s1;
	[sflag:s0] =	ssyncset.done @!p0 $0x0  }
0x52: {  	[sflag:s0] =	ssyncadd.s32 @!p0 s1  }
0x53: {  	[bflag:$0x3] =	sbarrier.arrive $0xFFFF  }
0x54: {  	_ =	shalt  }

</sc_bundles>
